<compile_context>
chip_gen: v7x
topology: tpu7x:2x2x1
jax: 0.10.2.dev20260603
libtpu: 0.0.44.dev20260713+nightly
codegen_flags: <defaults>
</compile_context>

<pallas_src>
import functools

import jax
import jax.numpy as jnp
from jax import lax
from jax.experimental import pallas as pl
from jax.experimental.pallas import tpu as pltpu
from jax.experimental.pallas import tpu_sc as plsc


def _gather3(B, D, NC, NS, R):
    NW = NC * NS
    b_per_w = B // NW
    mesh = plsc.VectorSubcoreMesh(core_axis_name="c", subcore_axis_name="s")

    @functools.partial(
        pl.kernel,
        mesh=mesh,
        out_type=(
            jax.ShapeDtypeStruct((B, D), jnp.float32),
            jax.ShapeDtypeStruct((B, D), jnp.float32),
            jax.ShapeDtypeStruct((B, D), jnp.float32),
        ),
        scratch_types=[
            pltpu.VMEM((3 * b_per_w,), jnp.int32),
            pltpu.VMEM((b_per_w, D), jnp.float32),
            pltpu.VMEM((b_per_w // 2, D), jnp.float32),
            pltpu.VMEM_SHARED((R, D), jnp.float32),
            pltpu.SemaphoreType.DMA,
            pltpu.SemaphoreType.DMA,
            pltpu.SemaphoreType.DMA,
            pltpu.SemaphoreType.DMA,
            pltpu.SemaphoreType.DMA,
            pltpu.SemaphoreType.DMA,
            pltpu.SemaphoreType.DMA,
            pltpu.SemaphoreType.DMA,
        ],
    )
    def k(emb_hbm, kgg_hbm, rel_hbm, scg_ids_hbm, kgg_ids_hbm, rel_ids_hbm,
          out_scg, out_kgg, out_rel, idx_v, rows_v, rows_b, rel_sh,
          isem0, isem1, isem2, rsem, gsem, esem, ksem, lsem):
        sid = lax.axis_index("s")
        wid = sid * NC + lax.axis_index("c")
        base = wid * b_per_w

        @pl.when(sid == 0)
        def _():
            pltpu.async_copy(rel_hbm, rel_sh, rsem)

        id_copies = [
            pltpu.async_copy(ids_hbm.at[pl.ds(base, b_per_w)],
                             idx_v.at[pl.ds(t * b_per_w, b_per_w)], sem)
            for t, (ids_hbm, sem) in enumerate((
                (scg_ids_hbm, isem0), (kgg_ids_hbm, isem1),
                (rel_ids_hbm, isem2)))
        ]
        half = b_per_w // 2

        id_copies[0].wait()
        pltpu.async_copy(
            emb_hbm.at[idx_v.at[pl.ds(0, b_per_w)]], rows_v, gsem).wait()
        emb_sc = pltpu.async_copy(
            rows_v, out_scg.at[pl.ds(base, b_per_w)], esem)

        @pl.when(sid == 0)
        def _():
            pltpu.make_async_copy(rel_hbm, rel_sh, rsem).wait()
        plsc.subcore_barrier()
        id_copies[2].wait()
        pltpu.async_copy(
            rel_sh.at[idx_v.at[pl.ds(2 * b_per_w, half)]],
            rows_b, gsem).wait()
        rel_sc1 = pltpu.async_copy(
            rows_b, out_rel.at[pl.ds(base, half)], lsem)

        id_copies[1].wait()
        emb_sc.wait()
        pltpu.async_copy(
            kgg_hbm.at[idx_v.at[pl.ds(b_per_w, b_per_w)]],
            rows_v, gsem).wait()
        kgg_sc = pltpu.async_copy(
            rows_v, out_kgg.at[pl.ds(base, b_per_w)], ksem)

        rel_sc1.wait()
        pltpu.async_copy(
            rel_sh.at[idx_v.at[pl.ds(2 * b_per_w + half, half)]],
            rows_b, gsem).wait()
        pltpu.sync_copy(rows_b, out_rel.at[pl.ds(base + half, half)])
        kgg_sc.wait()

    return k


def kernel(embedding, kgg_table, rel_table, scg_ids, relation_ids, kgg_ids):
    B = scg_ids.shape[0]
    D = embedding.shape[1]
    R = rel_table.shape[0]
    info = plsc.get_sparse_core_info()
    NC, NS = info.num_cores, info.num_subcores
    k = _gather3(B, D, NC, NS, R)
    if scg_ids.dtype != jnp.int32:
        scg_ids = scg_ids.astype(jnp.int32)
        relation_ids = relation_ids.astype(jnp.int32)
        kgg_ids = kgg_ids.astype(jnp.int32)
    scg, kgg, rel = k(embedding, kgg_table, rel_table,
                      scg_ids, kgg_ids, relation_ids)
    return (scg, kgg, rel)

# --- scband reference (transcript-rebuilt; emitter-appended) ---
"""Pipeline reference for scband-e2-emodel-23063974379584 (READ-ONLY COPY).

The authoritative reference and input builder live on the scoring server;
editing this copy changes nothing except your own understanding.
"""

import jax, jax.numpy as jnp
import numpy as np

N_SCG = 100000
N_KGG = 100000
N_REL = 1000
D = 128
B = 16384

def setup_inputs(seed: int = 0) -> dict:
    key = jax.random.key(seed)
    k1, k2, k3, k4, k5, k6 = jax.random.split(key, 6)
    embedding = jax.random.normal(k1, (N_SCG, D), dtype=jnp.float32)
    kgg_table = jax.random.normal(k2, (N_KGG, D), dtype=jnp.float32)
    rel_table = jax.random.normal(k3, (N_REL, D), dtype=jnp.float32)
    scg_ids = jax.random.randint(k4, (B,), 0, N_SCG, dtype=jnp.int64 if jax.config.jax_enable_x64 else jnp.int32)
    relation_ids = jax.random.randint(k5, (B,), 0, N_REL, dtype=jnp.int64 if jax.config.jax_enable_x64 else jnp.int32)
    kgg_ids = jax.random.randint(k6, (B,), 0, N_KGG, dtype=jnp.int64 if jax.config.jax_enable_x64 else jnp.int32)
    return {
        "embedding": embedding,
        "kgg_table": kgg_table,
        "rel_table": rel_table,
        "scg_ids": scg_ids,
        "relation_ids": relation_ids,
        "kgg_ids": kgg_ids,
    }

def reference(embedding, kgg_table, rel_table, scg_ids, relation_ids, kgg_ids):
    # scg_embedding = embedding[scg_ids] (the torch code does a python-loop fancy index; same as gather)
    scg_embedding = jnp.take(embedding, scg_ids, axis=0)
    # KGEmodel forward: lookup entity (kgg) and relation embeddings from learned tables
    kgg_embedding = jnp.take(kgg_table, kgg_ids, axis=0)
    relation_embedding = jnp.take(rel_table, relation_ids, axis=0)
    return (scg_embedding, kgg_embedding, relation_embedding)

if __name__ == "__main__":
    import jax
    _d = setup_inputs()
    print(jax.jit(kernel)(*tuple(_d.values())))

</pallas_src>

<mosaic_0001>
#map = affine_map<(d0, d1) -> (0, 0)>
#map1 = affine_map<(d0, d1) -> (0)>
module attributes {stable_mosaic.version = 14 : i64} {
  func.func @k(%arg0: i32, %arg1: i32, %arg2: memref<100000x128xf32, #tpu.memory_space<hbm>>, %arg3: memref<100000x128xf32, #tpu.memory_space<hbm>>, %arg4: memref<1000x128xf32, #tpu.memory_space<hbm>>, %arg5: memref<16384xi32, #tpu.memory_space<hbm>>, %arg6: memref<16384xi32, #tpu.memory_space<hbm>>, %arg7: memref<16384xi32, #tpu.memory_space<hbm>>, %arg8: memref<16384x128xf32, #tpu.memory_space<hbm>>, %arg9: memref<16384x128xf32, #tpu.memory_space<hbm>>, %arg10: memref<16384x128xf32, #tpu.memory_space<hbm>>, %arg11: memref<1536xi32, #tpu.memory_space<vmem>>, %arg12: memref<512x128xf32, #tpu.memory_space<vmem>>, %arg13: memref<256x128xf32, #tpu.memory_space<vmem>>, %arg14: memref<1000x128xf32, #tpu.memory_space<vmem_shared>>, %arg15: memref<!tpu.dma_semaphore, #tpu.memory_space<semaphore_mem>>, %arg16: memref<!tpu.dma_semaphore, #tpu.memory_space<semaphore_mem>>, %arg17: memref<!tpu.dma_semaphore, #tpu.memory_space<semaphore_mem>>, %arg18: memref<!tpu.dma_semaphore, #tpu.memory_space<semaphore_mem>>, %arg19: memref<!tpu.dma_semaphore, #tpu.memory_space<semaphore_mem>>, %arg20: memref<!tpu.dma_semaphore, #tpu.memory_space<semaphore_mem>>, %arg21: memref<!tpu.dma_semaphore, #tpu.memory_space<semaphore_mem>>, %arg22: memref<!tpu.dma_semaphore, #tpu.memory_space<semaphore_mem>>) attributes {dimension_semantics = [#tpu.dimension_semantics<core_parallel>, #tpu.dimension_semantics<subcore_parallel>], iteration_bounds = array<i64: 2, 16>, scalar_prefetch = 0 : i64, scratch_operands = 12 : i64, tpu.core_type = #tpu.core_type<sc_vector_subcore>, window_params = [{transform_indices = #map}, {transform_indices = #map}, {transform_indices = #map}, {transform_indices = #map1}, {transform_indices = #map1}, {transform_indices = #map1}, {transform_indices = #map}, {transform_indices = #map}, {transform_indices = #map}]} {
    %mul3A = arith.constant 2 : i32
    %mul3A_0 = arith.muli %arg1, %mul3A : i32
    %add3A = arith.addi %mul3A_0, %arg0 : i32
    %mul3A_1 = arith.constant 512 : i32
    %mul3A_2 = arith.muli %add3A, %mul3A_1 : i32
    %eq3A = arith.constant 0 : i32
    %eq3A_3 = arith.cmpi eq, %arg1, %eq3A : i32
    %convert_element_type3A = arith.extui %eq3A_3 : i1 to i32
    %cond3A = arith.constant 0 : i32
    %cond3A_4 = arith.cmpi ne, %convert_element_type3A, %cond3A : i32
    scf.if %cond3A_4 {
      tpu.enqueue_dma source(%arg4 : memref<1000x128xf32, #tpu.memory_space<hbm>>) target(%arg14 : memref<1000x128xf32, #tpu.memory_space<vmem_shared>>) target_semaphore(%arg18 : memref<!tpu.dma_semaphore, #tpu.memory_space<semaphore_mem>>)
    } else {
    }
    %dma_start3A = arith.constant 0 : i32
    %dma_start3A_5 = tpu.memref_slice %arg11[%dma_start3A] : memref<1536xi32, #tpu.memory_space<vmem>> -> memref<512xi32, #tpu.memory_space<vmem>>
    %dma_start3A_6 = tpu.memref_slice %arg5[%mul3A_2] : memref<16384xi32, #tpu.memory_space<hbm>> -> memref<512xi32, #tpu.memory_space<hbm>>
    %dma_start3A_7 = arith.constant 0 : i32
    %dma_start3A_8 = tpu.memref_slice %arg11[%dma_start3A_7] : memref<1536xi32, #tpu.memory_space<vmem>> -> memref<512xi32, #tpu.memory_space<vmem>>
    %dma_start3A_9 = tpu.memref_slice %arg5[%mul3A_2] : memref<16384xi32, #tpu.memory_space<hbm>> -> memref<512xi32, #tpu.memory_space<hbm>>
    tpu.enqueue_dma source(%dma_start3A_9 : memref<512xi32, #tpu.memory_space<hbm>>) target(%dma_start3A_8 : memref<512xi32, #tpu.memory_space<vmem>>) target_semaphore(%arg15 : memref<!tpu.dma_semaphore, #tpu.memory_space<semaphore_mem>>)
    %dma_start3A_10 = arith.constant 512 : i32
    %dma_start3A_11 = tpu.memref_slice %arg11[%dma_start3A_10] : memref<1536xi32, #tpu.memory_space<vmem>> -> memref<512xi32, #tpu.memory_space<vmem>>
    %dma_start3A_12 = tpu.memref_slice %arg6[%mul3A_2] : memref<16384xi32, #tpu.memory_space<hbm>> -> memref<512xi32, #tpu.memory_space<hbm>>
    %dma_start3A_13 = arith.constant 512 : i32
    %dma_start3A_14 = tpu.memref_slice %arg11[%dma_start3A_13] : memref<1536xi32, #tpu.memory_space<vmem>> -> memref<512xi32, #tpu.memory_space<vmem>>
    %dma_start3A_15 = tpu.memref_slice %arg6[%mul3A_2] : memref<16384xi32, #tpu.memory_space<hbm>> -> memref<512xi32, #tpu.memory_space<hbm>>
    tpu.enqueue_dma source(%dma_start3A_15 : memref<512xi32, #tpu.memory_space<hbm>>) target(%dma_start3A_14 : memref<512xi32, #tpu.memory_space<vmem>>) target_semaphore(%arg16 : memref<!tpu.dma_semaphore, #tpu.memory_space<semaphore_mem>>)
    %dma_start3A_16 = arith.constant 1024 : i32
    %dma_start3A_17 = tpu.memref_slice %arg11[%dma_start3A_16] : memref<1536xi32, #tpu.memory_space<vmem>> -> memref<512xi32, #tpu.memory_space<vmem>>
    %dma_start3A_18 = tpu.memref_slice %arg7[%mul3A_2] : memref<16384xi32, #tpu.memory_space<hbm>> -> memref<512xi32, #tpu.memory_space<hbm>>
    %dma_start3A_19 = arith.constant 1024 : i32
    %dma_start3A_20 = tpu.memref_slice %arg11[%dma_start3A_19] : memref<1536xi32, #tpu.memory_space<vmem>> -> memref<512xi32, #tpu.memory_space<vmem>>
    %dma_start3A_21 = tpu.memref_slice %arg7[%mul3A_2] : memref<16384xi32, #tpu.memory_space<hbm>> -> memref<512xi32, #tpu.memory_space<hbm>>
    tpu.enqueue_dma source(%dma_start3A_21 : memref<512xi32, #tpu.memory_space<hbm>>) target(%dma_start3A_20 : memref<512xi32, #tpu.memory_space<vmem>>) target_semaphore(%arg17 : memref<!tpu.dma_semaphore, #tpu.memory_space<semaphore_mem>>)
    %dma_wait3A = arith.constant 0 : i32
    %dma_wait3A_22 = tpu.memref_slice %arg11[%dma_wait3A] : memref<1536xi32, #tpu.memory_space<vmem>> -> memref<512xi32, #tpu.memory_space<vmem>>
    %dma_wait3A_23 = tpu.memref_slice %arg5[%mul3A_2] : memref<16384xi32, #tpu.memory_space<hbm>> -> memref<512xi32, #tpu.memory_space<hbm>>
    %dma_wait3A_24 = arith.constant 0 : i32
    %dma_wait3A_25 = tpu.memref_slice %arg11[%dma_wait3A_24] : memref<1536xi32, #tpu.memory_space<vmem>> -> memref<512xi32, #tpu.memory_space<vmem>>
    %dma_wait3A_26 = tpu.memref_slice %arg5[%mul3A_2] : memref<16384xi32, #tpu.memory_space<hbm>> -> memref<512xi32, #tpu.memory_space<hbm>>
    tpu.wait_dma2 semaphore(%arg15 : memref<!tpu.dma_semaphore, #tpu.memory_space<semaphore_mem>>) src(%dma_wait3A_26 : memref<512xi32, #tpu.memory_space<hbm>>) dst(%dma_wait3A_25 : memref<512xi32, #tpu.memory_space<vmem>>)
    %dma_start3A_27 = arith.constant 0 : i32
    %dma_start3A_28 = tpu.memref_slice %arg11[%dma_start3A_27] : memref<1536xi32, #tpu.memory_space<vmem>> -> memref<512xi32, #tpu.memory_space<vmem>>
    %dma_start3A_29 = arith.constant 0 : i32
    %dma_start3A_30 = arith.constant 0 : i32
    %dma_start3A_31 = tpu.memref_slice %arg2[%dma_start3A_29, %dma_start3A_30] : memref<100000x128xf32, #tpu.memory_space<hbm>> -> memref<100000x128xf32, #tpu.memory_space<hbm>>
    tpu.enqueue_indirect_dma source(%dma_start3A_31 : memref<100000x128xf32, #tpu.memory_space<hbm>>) target(%arg12 : memref<512x128xf32, #tpu.memory_space<vmem>>) offsets(%dma_start3A_28 : memref<512xi32, #tpu.memory_space<vmem>>) semaphore(%arg19 : memref<!tpu.dma_semaphore, #tpu.memory_space<semaphore_mem>>)
    %dma_wait3A_32 = arith.constant 0 : i32
    %dma_wait3A_33 = tpu.memref_slice %arg11[%dma_wait3A_32] : memref<1536xi32, #tpu.memory_space<vmem>> -> memref<512xi32, #tpu.memory_space<vmem>>
    %dma_wait3A_34 = arith.constant 0 : i32
    %dma_wait3A_35 = arith.constant 0 : i32
    %dma_wait3A_36 = tpu.memref_slice %arg2[%dma_wait3A_34, %dma_wait3A_35] : memref<100000x128xf32, #tpu.memory_space<hbm>> -> memref<100000x128xf32, #tpu.memory_space<hbm>>
    tpu.wait_indirect_dma semaphore(%arg19 : memref<!tpu.dma_semaphore, #tpu.memory_space<semaphore_mem>>) src(%dma_wait3A_36 : memref<100000x128xf32, #tpu.memory_space<hbm>>) dst(%arg12 : memref<512x128xf32, #tpu.memory_space<vmem>>)
    %dma_start3A_37 = arith.constant 0 : i32
    %dma_start3A_38 = tpu.memref_slice %arg8[%mul3A_2, %dma_start3A_37] : memref<16384x128xf32, #tpu.memory_space<hbm>> -> memref<512x128xf32, #tpu.memory_space<hbm>>
    %dma_start3A_39 = arith.constant 0 : i32
    %dma_start3A_40 = tpu.memref_slice %arg8[%mul3A_2, %dma_start3A_39] : memref<16384x128xf32, #tpu.memory_space<hbm>> -> memref<512x128xf32, #tpu.memory_space<hbm>>
    tpu.enqueue_dma source(%arg12 : memref<512x128xf32, #tpu.memory_space<vmem>>) target(%dma_start3A_40 : memref<512x128xf32, #tpu.memory_space<hbm>>) target_semaphore(%arg20 : memref<!tpu.dma_semaphore, #tpu.memory_space<semaphore_mem>>)
    %eq3A_41 = arith.constant 0 : i32
    %eq3A_42 = arith.cmpi eq, %arg1, %eq3A_41 : i32
    %convert_element_type3A_43 = arith.extui %eq3A_42 : i1 to i32
    %cond3A_44 = arith.constant 0 : i32
    %cond3A_45 = arith.cmpi ne, %convert_element_type3A_43, %cond3A_44 : i32
    scf.if %cond3A_45 {
      tpu.wait_dma2 semaphore(%arg18 : memref<!tpu.dma_semaphore, #tpu.memory_space<semaphore_mem>>) src(%arg4 : memref<1000x128xf32, #tpu.memory_space<hbm>>) dst(%arg14 : memref<1000x128xf32, #tpu.memory_space<vmem_shared>>)
    } else {
    }
    %barrier3A = arith.constant 0 : index
    tpu.barrier barrier_id(%barrier3A)
    %dma_wait3A_46 = arith.constant 1024 : i32
    %dma_wait3A_47 = tpu.memref_slice %arg11[%dma_wait3A_46] : memref<1536xi32, #tpu.memory_space<vmem>> -> memref<512xi32, #tpu.memory_space<vmem>>
    %dma_wait3A_48 = tpu.memref_slice %arg7[%mul3A_2] : memref<16384xi32, #tpu.memory_space<hbm>> -> memref<512xi32, #tpu.memory_space<hbm>>
    %dma_wait3A_49 = arith.constant 1024 : i32
    %dma_wait3A_50 = tpu.memref_slice %arg11[%dma_wait3A_49] : memref<1536xi32, #tpu.memory_space<vmem>> -> memref<512xi32, #tpu.memory_space<vmem>>
    %dma_wait3A_51 = tpu.memref_slice %arg7[%mul3A_2] : memref<16384xi32, #tpu.memory_space<hbm>> -> memref<512xi32, #tpu.memory_space<hbm>>
    tpu.wait_dma2 semaphore(%arg17 : memref<!tpu.dma_semaphore, #tpu.memory_space<semaphore_mem>>) src(%dma_wait3A_51 : memref<512xi32, #tpu.memory_space<hbm>>) dst(%dma_wait3A_50 : memref<512xi32, #tpu.memory_space<vmem>>)
    %dma_start3A_52 = arith.constant 1024 : i32
    %dma_start3A_53 = tpu.memref_slice %arg11[%dma_start3A_52] : memref<1536xi32, #tpu.memory_space<vmem>> -> memref<256xi32, #tpu.memory_space<vmem>>
    %dma_start3A_54 = arith.constant 0 : i32
    %dma_start3A_55 = arith.constant 0 : i32
    %dma_start3A_56 = tpu.memref_slice %arg14[%dma_start3A_54, %dma_start3A_55] : memref<1000x128xf32, #tpu.memory_space<vmem_shared>> -> memref<1000x128xf32, #tpu.memory_space<vmem_shared>>
    tpu.enqueue_indirect_dma source(%dma_start3A_56 : memref<1000x128xf32, #tpu.memory_space<vmem_shared>>) target(%arg13 : memref<256x128xf32, #tpu.memory_space<vmem>>) offsets(%dma_start3A_53 : memref<256xi32, #tpu.memory_space<vmem>>) semaphore(%arg19 : memref<!tpu.dma_semaphore, #tpu.memory_space<semaphore_mem>>)
    %dma_wait3A_57 = arith.constant 1024 : i32
    %dma_wait3A_58 = tpu.memref_slice %arg11[%dma_wait3A_57] : memref<1536xi32, #tpu.memory_space<vmem>> -> memref<256xi32, #tpu.memory_space<vmem>>
    %dma_wait3A_59 = arith.constant 0 : i32
    %dma_wait3A_60 = arith.constant 0 : i32
    %dma_wait3A_61 = tpu.memref_slice %arg14[%dma_wait3A_59, %dma_wait3A_60] : memref<1000x128xf32, #tpu.memory_space<vmem_shared>> -> memref<1000x128xf32, #tpu.memory_space<vmem_shared>>
    tpu.wait_indirect_dma semaphore(%arg19 : memref<!tpu.dma_semaphore, #tpu.memory_space<semaphore_mem>>) src(%dma_wait3A_61 : memref<1000x128xf32, #tpu.memory_space<vmem_shared>>) dst(%arg13 : memref<256x128xf32, #tpu.memory_space<vmem>>)
    %dma_start3A_62 = arith.constant 0 : i32
    %dma_start3A_63 = tpu.memref_slice %arg10[%mul3A_2, %dma_start3A_62] : memref<16384x128xf32, #tpu.memory_space<hbm>> -> memref<256x128xf32, #tpu.memory_space<hbm>>
    %dma_start3A_64 = arith.constant 0 : i32
    %dma_start3A_65 = tpu.memref_slice %arg10[%mul3A_2, %dma_start3A_64] : memref<16384x128xf32, #tpu.memory_space<hbm>> -> memref<256x128xf32, #tpu.memory_space<hbm>>
    tpu.enqueue_dma source(%arg13 : memref<256x128xf32, #tpu.memory_space<vmem>>) target(%dma_start3A_65 : memref<256x128xf32, #tpu.memory_space<hbm>>) target_semaphore(%arg22 : memref<!tpu.dma_semaphore, #tpu.memory_space<semaphore_mem>>)
    %dma_wait3A_66 = arith.constant 512 : i32
    %dma_wait3A_67 = tpu.memref_slice %arg11[%dma_wait3A_66] : memref<1536xi32, #tpu.memory_space<vmem>> -> memref<512xi32, #tpu.memory_space<vmem>>
    %dma_wait3A_68 = tpu.memref_slice %arg6[%mul3A_2] : memref<16384xi32, #tpu.memory_space<hbm>> -> memref<512xi32, #tpu.memory_space<hbm>>
    %dma_wait3A_69 = arith.constant 512 : i32
    %dma_wait3A_70 = tpu.memref_slice %arg11[%dma_wait3A_69] : memref<1536xi32, #tpu.memory_space<vmem>> -> memref<512xi32, #tpu.memory_space<vmem>>
    %dma_wait3A_71 = tpu.memref_slice %arg6[%mul3A_2] : memref<16384xi32, #tpu.memory_space<hbm>> -> memref<512xi32, #tpu.memory_space<hbm>>
    tpu.wait_dma2 semaphore(%arg16 : memref<!tpu.dma_semaphore, #tpu.memory_space<semaphore_mem>>) src(%dma_wait3A_71 : memref<512xi32, #tpu.memory_space<hbm>>) dst(%dma_wait3A_70 : memref<512xi32, #tpu.memory_space<vmem>>)
    %dma_wait3A_72 = arith.constant 0 : i32
    %dma_wait3A_73 = tpu.memref_slice %arg8[%mul3A_2, %dma_wait3A_72] : memref<16384x128xf32, #tpu.memory_space<hbm>> -> memref<512x128xf32, #tpu.memory_space<hbm>>
    %dma_wait3A_74 = arith.constant 0 : i32
    %dma_wait3A_75 = tpu.memref_slice %arg8[%mul3A_2, %dma_wait3A_74] : memref<16384x128xf32, #tpu.memory_space<hbm>> -> memref<512x128xf32, #tpu.memory_space<hbm>>
    tpu.wait_dma2 semaphore(%arg20 : memref<!tpu.dma_semaphore, #tpu.memory_space<semaphore_mem>>) src(%arg12 : memref<512x128xf32, #tpu.memory_space<vmem>>) dst(%dma_wait3A_75 : memref<512x128xf32, #tpu.memory_space<hbm>>)
    %dma_start3A_76 = arith.constant 512 : i32
    %dma_start3A_77 = tpu.memref_slice %arg11[%dma_start3A_76] : memref<1536xi32, #tpu.memory_space<vmem>> -> memref<512xi32, #tpu.memory_space<vmem>>
    %dma_start3A_78 = arith.constant 0 : i32
    %dma_start3A_79 = arith.constant 0 : i32
    %dma_start3A_80 = tpu.memref_slice %arg3[%dma_start3A_78, %dma_start3A_79] : memref<100000x128xf32, #tpu.memory_space<hbm>> -> memref<100000x128xf32, #tpu.memory_space<hbm>>
    tpu.enqueue_indirect_dma source(%dma_start3A_80 : memref<100000x128xf32, #tpu.memory_space<hbm>>) target(%arg12 : memref<512x128xf32, #tpu.memory_space<vmem>>) offsets(%dma_start3A_77 : memref<512xi32, #tpu.memory_space<vmem>>) semaphore(%arg19 : memref<!tpu.dma_semaphore, #tpu.memory_space<semaphore_mem>>)
    %dma_wait3A_81 = arith.constant 512 : i32
    %dma_wait3A_82 = tpu.memref_slice %arg11[%dma_wait3A_81] : memref<1536xi32, #tpu.memory_space<vmem>> -> memref<512xi32, #tpu.memory_space<vmem>>
    %dma_wait3A_83 = arith.constant 0 : i32
    %dma_wait3A_84 = arith.constant 0 : i32
    %dma_wait3A_85 = tpu.memref_slice %arg3[%dma_wait3A_83, %dma_wait3A_84] : memref<100000x128xf32, #tpu.memory_space<hbm>> -> memref<100000x128xf32, #tpu.memory_space<hbm>>
    tpu.wait_indirect_dma semaphore(%arg19 : memref<!tpu.dma_semaphore, #tpu.memory_space<semaphore_mem>>) src(%dma_wait3A_85 : memref<100000x128xf32, #tpu.memory_space<hbm>>) dst(%arg12 : memref<512x128xf32, #tpu.memory_space<vmem>>)
    %dma_start3A_86 = arith.constant 0 : i32
    %dma_start3A_87 = tpu.memref_slice %arg9[%mul3A_2, %dma_start3A_86] : memref<16384x128xf32, #tpu.memory_space<hbm>> -> memref<512x128xf32, #tpu.memory_space<hbm>>
    %dma_start3A_88 = arith.constant 0 : i32
    %dma_start3A_89 = tpu.memref_slice %arg9[%mul3A_2, %dma_start3A_88] : memref<16384x128xf32, #tpu.memory_space<hbm>> -> memref<512x128xf32, #tpu.memory_space<hbm>>
    tpu.enqueue_dma source(%arg12 : memref<512x128xf32, #tpu.memory_space<vmem>>) target(%dma_start3A_89 : memref<512x128xf32, #tpu.memory_space<hbm>>) target_semaphore(%arg21 : memref<!tpu.dma_semaphore, #tpu.memory_space<semaphore_mem>>)
    %dma_wait3A_90 = arith.constant 0 : i32
    %dma_wait3A_91 = tpu.memref_slice %arg10[%mul3A_2, %dma_wait3A_90] : memref<16384x128xf32, #tpu.memory_space<hbm>> -> memref<256x128xf32, #tpu.memory_space<hbm>>
    %dma_wait3A_92 = arith.constant 0 : i32
    %dma_wait3A_93 = tpu.memref_slice %arg10[%mul3A_2, %dma_wait3A_92] : memref<16384x128xf32, #tpu.memory_space<hbm>> -> memref<256x128xf32, #tpu.memory_space<hbm>>
    tpu.wait_dma2 semaphore(%arg22 : memref<!tpu.dma_semaphore, #tpu.memory_space<semaphore_mem>>) src(%arg13 : memref<256x128xf32, #tpu.memory_space<vmem>>) dst(%dma_wait3A_93 : memref<256x128xf32, #tpu.memory_space<hbm>>)
    %dma_start3A_94 = arith.constant 1280 : i32
    %dma_start3A_95 = tpu.memref_slice %arg11[%dma_start3A_94] : memref<1536xi32, #tpu.memory_space<vmem>> -> memref<256xi32, #tpu.memory_space<vmem>>
    %dma_start3A_96 = arith.constant 0 : i32
    %dma_start3A_97 = arith.constant 0 : i32
    %dma_start3A_98 = tpu.memref_slice %arg14[%dma_start3A_96, %dma_start3A_97] : memref<1000x128xf32, #tpu.memory_space<vmem_shared>> -> memref<1000x128xf32, #tpu.memory_space<vmem_shared>>
    tpu.enqueue_indirect_dma source(%dma_start3A_98 : memref<1000x128xf32, #tpu.memory_space<vmem_shared>>) target(%arg13 : memref<256x128xf32, #tpu.memory_space<vmem>>) offsets(%dma_start3A_95 : memref<256xi32, #tpu.memory_space<vmem>>) semaphore(%arg19 : memref<!tpu.dma_semaphore, #tpu.memory_space<semaphore_mem>>)
    %dma_wait3A_99 = arith.constant 1280 : i32
    %dma_wait3A_100 = tpu.memref_slice %arg11[%dma_wait3A_99] : memref<1536xi32, #tpu.memory_space<vmem>> -> memref<256xi32, #tpu.memory_space<vmem>>
    %dma_wait3A_101 = arith.constant 0 : i32
    %dma_wait3A_102 = arith.constant 0 : i32
    %dma_wait3A_103 = tpu.memref_slice %arg14[%dma_wait3A_101, %dma_wait3A_102] : memref<1000x128xf32, #tpu.memory_space<vmem_shared>> -> memref<1000x128xf32, #tpu.memory_space<vmem_shared>>
    tpu.wait_indirect_dma semaphore(%arg19 : memref<!tpu.dma_semaphore, #tpu.memory_space<semaphore_mem>>) src(%dma_wait3A_103 : memref<1000x128xf32, #tpu.memory_space<vmem_shared>>) dst(%arg13 : memref<256x128xf32, #tpu.memory_space<vmem>>)
    %add3A_104 = arith.constant 256 : i32
    %add3A_105 = arith.addi %mul3A_2, %add3A_104 : i32
    "tpu.region"() ({
      %run_scoped3A = tpu.sem_alloc : memref<!tpu.dma_semaphore, #tpu.memory_space<semaphore_mem>>
      %dma_start3A_110 = arith.constant 0 : i32
      %dma_start3A_111 = tpu.memref_slice %arg10[%add3A_105, %dma_start3A_110] : memref<16384x128xf32, #tpu.memory_space<hbm>> -> memref<256x128xf32, #tpu.memory_space<hbm>>
      %dma_start3A_112 = arith.constant 0 : i32
      %dma_start3A_113 = tpu.memref_slice %arg10[%add3A_105, %dma_start3A_112] : memref<16384x128xf32, #tpu.memory_space<hbm>> -> memref<256x128xf32, #tpu.memory_space<hbm>>
      tpu.enqueue_dma source(%arg13 : memref<256x128xf32, #tpu.memory_space<vmem>>) target(%dma_start3A_113 : memref<256x128xf32, #tpu.memory_space<hbm>>) target_semaphore(%run_scoped3A : memref<!tpu.dma_semaphore, #tpu.memory_space<semaphore_mem>>)
      %dma_wait3A_114 = arith.constant 0 : i32
      %dma_wait3A_115 = tpu.memref_slice %arg10[%add3A_105, %dma_wait3A_114] : memref<16384x128xf32, #tpu.memory_space<hbm>> -> memref<256x128xf32, #tpu.memory_space<hbm>>
      %dma_wait3A_116 = arith.constant 0 : i32
      %dma_wait3A_117 = tpu.memref_slice %arg10[%add3A_105, %dma_wait3A_116] : memref<16384x128xf32, #tpu.memory_space<hbm>> -> memref<256x128xf32, #tpu.memory_space<hbm>>
      tpu.wait_dma2 semaphore(%run_scoped3A : memref<!tpu.dma_semaphore, #tpu.memory_space<semaphore_mem>>) src(%arg13 : memref<256x128xf32, #tpu.memory_space<vmem>>) dst(%dma_wait3A_117 : memref<256x128xf32, #tpu.memory_space<hbm>>)
      tpu.yield
    }) : () -> ()
    %dma_wait3A_106 = arith.constant 0 : i32
    %dma_wait3A_107 = tpu.memref_slice %arg9[%mul3A_2, %dma_wait3A_106] : memref<16384x128xf32, #tpu.memory_space<hbm>> -> memref<512x128xf32, #tpu.memory_space<hbm>>
    %dma_wait3A_108 = arith.constant 0 : i32
    %dma_wait3A_109 = tpu.memref_slice %arg9[%mul3A_2, %dma_wait3A_108] : memref<16384x128xf32, #tpu.memory_space<hbm>> -> memref<512x128xf32, #tpu.memory_space<hbm>>
    tpu.wait_dma2 semaphore(%arg21 : memref<!tpu.dma_semaphore, #tpu.memory_space<semaphore_mem>>) src(%arg12 : memref<512x128xf32, #tpu.memory_space<vmem>>) dst(%dma_wait3A_109 : memref<512x128xf32, #tpu.memory_space<hbm>>)
    return
  }
}

</mosaic_0001>

<sc_bundles>
// kernel: kernel.3.cloned.1.call-start
scs
__scs_entry_jumppad:
0x0: {  	(pc) =	sbr.rel $0x88, $3  }
0x1: {  	(tag) =	ssettag $0x0;
	lr =	simm.s32 $0x1  }
0x2: {  	[smem:$0x3F9B] =	sst lr;
	_ =	strace $0xD0000000  }
0x3: {  	_ = 	snop  }
0x4: {  	_ = 	snop  }
0x5: {  	_ = 	snop  }
0x6: {  	_ = 	snop  }
0x7: {  	_ = 	snop  }
__scs_overlays_trampoline_lowered:
0x8: {  	[smem:$0x3FAA] =	sst s0  }
0x9: {  	[smem:$0x3FAB] =	sst s1  }
0xa: {  	[smem:$0x3FAC] =	sst s2  }
0xb: {  	[smem:$0x3FAD] =	sst s3  }
0xc: {  	[smem:$0x3FAE] =	sst s4  }
0xd: {  	[smem:$0x3FAF] =	sst s5  }
0xe: {  	[smem:$0x3FB0] =	sst s6  }
0xf: {  	[smem:$0x3FB1] =	sst s7  }
0x10: {  	[smem:$0x3FB2] =	sst s8  }
0x11: {  	[smem:$0x3FB3] =	sst s9;
	s0 =	simm.s32 @!p0 $0x0  }
0x12: {  	s1 =	sld [smem:$0x3F99];
	s0 =	simm.s32 @p0 $0x1  }
0x13: {  	[smem:$0x3FB4] =	sst s0;
	s0 =	simm.s32 @!p1 $0x0  }
0x14: {  	s2 =	sld [smem:$0x3F98];
	s0 =	simm.s32 @p1 $0x1  }
0x15: {  	[smem:$0x3FB5] =	sst s0;
	s0 =	simm.s32 @!p2 $0x0  }
0x16: {  	s3 =	sld [smem:$0x3FDB];
	s0 =	simm.s32 @p2 $0x1  }
0x17: {  	s4 =	simm.s32 $0x1BF5;
	[smem:$0x3FB7] =	sst s0  }
0x18: {  	s0 =	sld [smem:$0x3F9A];
	_ =	swait.ge [sflag:s4], $0x0  }
0x19: {  	s7 =	sld [smem:$0x3F9B]  }
0x1a: {  	s8 =	sadd.s32 $0xFFFFE003, lr  }
0x1b: {  	s9 =	sadd.s32 $0xFFFFFEF7, lr;
	s5 =	simm.s32 $0xFFFFFFFF;
	p2 =	slt.u32 s8, $0xFFFFF086  }
0x1c: {  	p1 =	slt.u32 s9, $0xF7A;
	s5 =	simm.s32 @!p2 $0x0  }
0x1d: {  	s5 =	simm.s32 @p1 $0x1;
	p0 =	seq.s32 s7, s2  }
0x1e: {  	s7 =	smul.u32 @!p0 $0xF7A, s2;
	p2 =	seq.s32 @!p0 s5, $0x0  }
0x1f: {  	s9 =	smul.u32 $0xF7A, s1;
	s8 =	simm.s32 @!p0 $0x1BF5;
	p2 =	por !p2, p0  }
0x20: {  	[sflag:s8] =	ssyncset.s32 @!p0 $0xFFFFF086;
	s6 =	sadd.s32 @!p0 s3, s7;
	s7 =	simm.s32 @!p0 $0x108  }
0x21: {  	s3 =	sadd.s32 s3, s9;
	s6 =	sadd.s32 @!p0 $0x88, s6;
	s7 =	simm.s32 @p2 $0x1082  }
0x22: {  	[simem:s7], [sflag:s8] =	dma.local @!p0 [hbm:s6], $0xF7A  }
0x23: {  	s9 =	sor.u32 $0xD0000000, s2;
	s6 =	simm.s32 $0x108;
	_ =	swait.ge @!p0 [sflag:s8], $0x0  }
0x24: {  	s3 =	sadd.s32 $0x88, s3;
	s6 =	simm.s32 @!p1 $0x1082;
	[sflag:s4] =	ssyncset.s32 $0xFFFFF086  }
0x25: {  	[simem:s6], [sflag:s4] =	dma.local [hbm:s3], $0xF7A  }
0x26: {  	[smem:$0x3F9B] =	sst s1;
	(tag) =	ssettag s2;
	_ =	strace s9  }
0x27: {  	s1 =	sld [smem:$0x3FAB]  }
0x28: {  	s2 =	sld [smem:$0x3FAC]  }
0x29: {  	s4 =	sld [smem:$0x3FAE]  }
0x2a: {  	p0 =	seq.s32 s5, $0x0;
	s5 =	sld [smem:$0x3FAF]  }
0x2b: {  	s6 =	sld [smem:$0x3FB0]  }
0x2c: {  	s7 =	sld [smem:$0x3FB1]  }
0x2d: {  	s3 =	simm.s32 $0x108;
	s8 =	sld [smem:$0x3FB2]  }
0x2e: {  	s3 =	simm.s32 @!p0 $0x1082;
	s9 =	sld [smem:$0x3FB3]  }
0x2f: {  	lr =	sadd.s32 s0, s3;
	s0 =	sld [smem:$0x3FAA]  }
0x30: {  	s3 =	sld [smem:$0x3FAD]  }
0x31: {  	[smem:$0x3FB6] =	sst s10  }
0x32: {  	s10 =	sld [smem:$0x3FB4];
	_ =	sdelay $0x3  }
0x33: {  	p0 =	seq.s32 s10, $0x1;
	s10 =	sld [smem:$0x3FB6];
	_ =	sdelay $0x3  }
0x34: {  	[smem:$0x3FB6] =	sst s10  }
0x35: {  	s10 =	sld [smem:$0x3FB5];
	_ =	sdelay $0x3  }
0x36: {  	p1 =	seq.s32 s10, $0x1;
	s10 =	sld [smem:$0x3FB6];
	_ =	sdelay $0x3  }
0x37: {  	[smem:$0x3FB6] =	sst s10  }
0x38: {  	s10 =	sld [smem:$0x3FB7]  }
0x39: {  	_ = 	snop;
	(pc) =	sbr.ind lr, $3  }
0x3a: {  	_ = 	snop  }
0x3b: {  	_ = 	snop  }
0x3c: {  	p2 =	seq.s32 s10, $0x1;
	s10 =	sld [smem:$0x3FB6]  }
0x3d: {  	_ =	shalt  }
0x3e: {  	_ =	shalt  }
0x3f: {  	_ =	shalt  }
0x40: {  	_ =	shalt  }
0x41: {  	_ =	shalt  }
0x42: {  	_ =	shalt  }
0x43: {  	_ =	shalt  }
0x44: {  	_ =	shalt  }
0x45: {  	_ =	shalt  }
0x46: {  	_ =	shalt  }
0x47: {  	_ =	shalt  }
0x48: {  	_ =	shalt  }
0x49: {  	_ =	shalt  }
0x4a: {  	_ =	shalt  }
0x4b: {  	_ =	shalt  }
0x4c: {  	_ =	shalt  }
0x4d: {  	_ =	shalt  }
0x4e: {  	_ =	shalt  }
0x4f: {  	_ =	shalt  }
0x50: {  	_ =	shalt  }
0x51: {  	_ =	shalt  }
0x52: {  	_ =	shalt  }
0x53: {  	_ =	shalt  }
0x54: {  	_ =	shalt  }
0x55: {  	_ =	shalt  }
0x56: {  	_ =	shalt  }
0x57: {  	_ =	shalt  }
0x58: {  	_ =	shalt  }
0x59: {  	_ =	shalt  }
0x5a: {  	_ =	shalt  }
0x5b: {  	_ =	shalt  }
0x5c: {  	_ =	shalt  }
0x5d: {  	_ =	shalt  }
0x5e: {  	_ =	shalt  }
0x5f: {  	_ =	shalt  }
0x60: {  	_ =	shalt  }
0x61: {  	_ =	shalt  }
0x62: {  	_ =	shalt  }
0x63: {  	_ =	shalt  }
0x64: {  	_ =	shalt  }
0x65: {  	_ =	shalt  }
0x66: {  	_ =	shalt  }
0x67: {  	_ =	shalt  }
0x68: {  	_ =	shalt  }
0x69: {  	_ =	shalt  }
0x6a: {  	_ =	shalt  }
0x6b: {  	_ =	shalt  }
0x6c: {  	_ =	shalt  }
0x6d: {  	_ =	shalt  }
0x6e: {  	_ =	shalt  }
0x6f: {  	_ =	shalt  }
0x70: {  	_ =	shalt  }
0x71: {  	_ =	shalt  }
0x72: {  	_ =	shalt  }
0x73: {  	_ =	shalt  }
0x74: {  	_ =	shalt  }
0x75: {  	_ =	shalt  }
0x76: {  	_ =	shalt  }
0x77: {  	_ =	shalt  }
0x78: {  	_ =	shalt  }
0x79: {  	_ =	shalt  }
0x7a: {  	_ =	shalt  }
0x7b: {  	_ =	shalt  }
0x7c: {  	_ =	shalt  }
0x7d: {  	_ =	shalt  }
0x7e: {  	_ =	shalt  }
0x7f: {  	_ =	shalt  }
0x80: {  	_ =	shalt  }
0x81: {  	_ =	shalt  }
0x82: {  	_ =	shalt  }
0x83: {  	_ =	shalt  }
0x84: {  	_ =	shalt  }
0x85: {  	_ =	shalt  }
0x86: {  	_ =	shalt  }
0x87: {  	_ =	shalt  }
.Lfunc_end0:
.L_simem_size_0:
called_computation_lowered:
.L_overlay_start_0:
0x88: {  	s2 =	sld [smem:$0x3FD9]  }
0x89: {  	s3 =	sld [smem:$0x3FFE];
	_ =	sdelay $0x1  }
0x8a: {  	s1 =	srdreg.scid  }
0x8b: {  	s0 =	sand.u32 $0x1, s1  }
0x8c: {  	s15 =	sshll.u32 s0, $0xA;
	s2 =	sadd.s32 s3, s2  }
0x8d: {  	s2 =	sadd.s32 s2, s15  }
0x8e: {  	[smem:$0x3FC2] =	sst s2  }
0x8f: {  	_ = 	snop  }
0x90: {  	s2 =	sld [smem:$0x3FC9]  }
0x91: {  	s16 =	sld [smem:$0x3FC8]  }
0x92: {  	s4 =	sld [smem:$0x3FC7]  }
0x93: {  	s5 =	sld [smem:$0x3FD0]  }
0x94: {  	s6 =	sld [smem:$0x3FC6]  }
0x95: {  	s7 =	sld [smem:$0x3FC5]  }
0x96: {  	s9 =	simm.s32 $0xA;
	s10 =	simm.s32 $0x10;
	s8 =	sld [smem:$0x3FC4]  }
0x97: {  	[smem:s10], [sflag:s9] =	dma.local [hbm:s5], $0x1  }
0x98: {  	_ =	swait.eq [sflag:s9], $0x1  }
0x99: {  	s17 =	sld [smem:$0x10];
	[sflag:s9] =	ssyncset.done $0x0  }
0x9a: {  	s18 =	sld [smem:$0x11];
	[sflag:s9] =	ssyncadd.s32 $0xFFFFFFFF  }
0x9b: {  	s19 =	sld [smem:$0x12];
	(tm) =	ssettm $0x1  }
0x9c: {  	s11 =	sld [smem:$0x3FFB];
	_ =	sdelay $0x3  }
0x9d: {  	_ =	strace s11  }
0x9e: {  	s11 =	sld [smem:$0x3FFC];
	_ =	sdelay $0x3  }
0x9f: {  	_ =	strace s11  }
0xa0: {  	s11 =	sld [smem:$0x3FFD];
	_ =	sdelay $0x3  }
0xa1: {  	_ =	strace s11  }
0xa2: {  	_ =	strace $0x8FFFFFFF  }
0xa3: {  	s20 =	sld [smem:$0x3FDB];
	_ =	sdelay $0x1  }
0xa4: {  	s12 =	simm.s32 $_scs_section_size  }
0xa5: {  	s13 =	simm.s32 $_size__tile_overlayer_lowered;
	s14 =	simm.s32 $_tile_overlayer_lowered  }
0xa6: {  	s23 =	simm.s32 $0x1BFF;
	s22 =	sshll.u32 s14, $0x1;
	s11 =	sadd.s32 s12, s20  }
0xa7: {  	s21 =	sshll.u32 s13, $0x1;
	s15 =	simm.s32 $0x0;
	s13 =	sadd.s32 s22, s11  }
0xa8: {  	[timem:s15], [sflag:s23] =	dma.local [hbm:s13], s21  }
0xa9: {  	_ =	swait.ge [sflag:s23], s21  }
0xaa: {  	s12 =	ssub.s32 $0x0, s21;
	[sflag:s23] =	ssyncset.done $0x0  }
0xab: {  	[sflag:s23] =	ssyncadd.s32 s12;
	_ =	sdelay $0x1  }
0xac: {  	s24 =	simm.s32 $0x1B8B  }
0xad: {  	_ =	swait.ge [sflag:s24], $0x1  }
0xae: {  	[sflag:s24] =	ssyncset.done $0x0  }
0xaf: {  	s25 =	simm.s32 $0x1B8E;
	[sflag:s24] =	ssyncadd.s32 $0xFFFFFFFF  }
0xb0: {  	s26 =	simm.s32 $execute0_lowered;
	[smem:$0x3FD2] =	sst s25  }
0xb1: {  	s12 =	sshll.u32 s26, $0x1;
	_ =	strace $0x80000046;
	[dreg:$0x1] =	wrdreg $0xFFFFFFFF  }
0xb2: {  	s28 =	simm.s32 $_size_execute0_lowered;
	s11 =	sadd.s32 s11, s12;
	[dreg:$0x0] =	wrdreg $0x0  }
0xb3: {  	s12 =	sshll.u32 s28, $0x1;
	[dreg:$0x2] =	wrdreg s11  }
0xb4: {  	[dreg:$0x3] =	wrdreg s12  }
0xb5: {  	[dreg:$0x4] =	wrdreg $0xC0  }
0xb6: {  	_ =	task [dreg:s15], $0x5FFFF  }
0xb7: {  	[dreg:$0x1] =	wrdreg $0xFFFFFFFF  }
0xb8: {  	[dreg:$0x0] =	wrdreg $0x60  }
0xb9: {  	[dreg:$0x2] =	wrdreg s2  }
0xba: {  	[dreg:$0x3] =	wrdreg s16  }
0xbb: {  	[dreg:$0x4] =	wrdreg s4  }
0xbc: {  	[dreg:$0x5] =	wrdreg s6  }
0xbd: {  	[dreg:$0x6] =	wrdreg s8  }
0xbe: {  	[dreg:$0x7] =	wrdreg s7  }
0xbf: {  	[dreg:$0x8] =	wrdreg s17  }
0xc0: {  	[dreg:$0x9] =	wrdreg s18  }
0xc1: {  	[dreg:$0xa] =	wrdreg s19  }
0xc2: {  	[dreg:$0xb] =	wrdreg $0x186000  }
0xc3: {  	[dreg:$0xc] =	wrdreg $0x9  }
0xc4: {  	_ =	task.clear_ibuf [dreg:s15], $0xDFFFF;
	_ =	strace $0x90000046  }
0xc5: {  	s29 =	simm.s32 $0x9;
	_ =	strace $0x80000048  }
0xc6: {  	_ =	swait.ge [sflag:s29], $0x1  }
0xc7: {  	[sflag:s29] =	ssyncadd.s32 $0xFFFFFFFF  }
0xc8: {  	_ =	strace $0x90000048  }
0xc9: {  	_ =	sfence  }
0xca: {  	s30 =	sld [smem:$0x0];
	_ =	sdelay $0x2  }
0xcb: {  	s31 =	sshll.u32 s1, $0xD;
	s1 =	sshrl.u32 s1, $0x2  }
0xcc: {  	s3 =	sand.u32 $0x4000, s31;
	s1 =	sadd.s32 s1, s30  }
0xcd: {  	s0 =	sor.u32 s3, s0;
	s1 =	sshll.u32 s1, $0x11  }
0xce: {  	s0 =	sor.u32 s1, s0  }
0xcf: {  	s0 =	sadd.s32 $0x8F2B, s0  }
0xd0: {  	[sflag:s0] =	ssyncadd.remote.s32 $0x1  }
0xd1: {  	_ =	sfence.sel $0xFFFF  }
0xd2: {  	[dreg:$0x0] =	wrdreg $0xFFFFFFFF;
	(pc) =	sbr.abs _section_cstart, $3  }
0xd3: {  	[dreg:$0x1] =	wrdreg $0xFFFFFFFF  }
0xd4: {  	_ =	task.clear_ibuf [dreg:s15], $0x2FFFF;
	_ =	strace $0x9FFFFFFF  }
0xd5: {  	(tm) =	ssettm $0x7FFFFFFF  }
tec
execute0_lowered:
.L_overlay_start_1:
0x0: {  	(tag) =	ssettag $0x1  }
0x1: {  	s0 =	rddreg [dreg:$0x0]  }
0x2: {  	s1 =	rddreg [dreg:$0x1]  }
0x3: {  	s10 =	rddreg [dreg:$0x2]  }
0x4: {  	s4 =	rddreg [dreg:$0x3]  }
0x5: {  	s5 =	rddreg [dreg:$0x4]  }
0x6: {  	s6 =	rddreg [dreg:$0x5]  }
0x7: {  	s7 =	rddreg [dreg:$0x6]  }
0x8: {  	s8 =	rddreg [dreg:$0x7]  }
0x9: {  	s9 =	rddreg [dreg:$0x8];
	s26 =	srdreg.scid  }
0xa: {  	s2 =	rddreg [dreg:$0x9];
	s11 =	stileid.u32  }
0xb: {  	s3 =	simm.s32 $0x0;
	s18 =	simm.s32 $0x400;
	s25 =	simm.s32 $0x1  }
0xc: {  	s21 =	simm.s32 $0x3;
	s19 =	simm.s32 $0x2;
	s17 =	simm.s32 $0x6  }
0xd: {  	s16 =	simm.s32 $0x500;
	p1 =	por $0x0, $0x0;
	s12 =	sand.u32 $0x1, s26  }
0xe: {  	[dreg:$0xb] =	wrdreg s0;
	s14 =	sshll.u32 s12, $0x9;
	s12 =	ssub.s32 $0x2, s12  }
0xf: {  	s0 =	rddreg [dreg:$0xa];
	s13 =	sshll.u32 s11, $0xA;
	s28 =	sshrl.u32 s12, $0x1  }
0x10: {  	[smem:$0x7FF] =	sst s3;
	p0 =	sne.s32 s11, $0x0;
	s12 =	ssub.s32 s12, s28  }
0x11: {  	s11 =	simm.s32 $0x600;
	_ =	strace $0x80000047;
	s31 =	smax.u32 s12, $0x1  }
0x12: {  	s26 =	sshrl.u32 @!p0 s2, $0x3;
	s13 =	sor.u32 s14, s13;
	s30 =	sadd.s32 $0xFFFFFFFF, s31  }
0x13: {  	s15 =	sshrl.u32 s13, $0x3;
	s29 =	sshll.u32 s13, $0x4;
	p2 =	sne.s32 s30, $0x0  }
.Ltmp0:
0x14: {  	s13 =	simm.s32 $0x9;
	s22 =	sadd.s32 s4, s15;
	(pc) =	sbr.rel @!p2 .LBB2_3-.Ltmp0, $4  }
0x15: {  	s23 =	sadd.s32 s5, s15;
	s24 =	sadd.s32 s6, s15;
	s20 =	sadd.s32 s7, s29  }
0x16: {  	s14 =	sadd.s32 s9, s29;
	s5 =	sadd.s32 s8, s29;
	s12 =	simm.s32 $0x200  }
0x17: {  	s6 =	simm.s32 $0x5;
	s8 =	simm.s32 $0x100;
	s7 =	simm.s32 $0x10600  }
0x18: {  	s15 =	simm.s32 $0x8;
	s9 =	simm.s32 $0x7;
	s4 =	sadd.s32 $0x1000, s14  }
0x19: {  	s28 =	simm.s32 @!p0 $0x1C04  }
0x1a: {  	[spmem:s26], [sflag:s28] =	dma.local @!p0 [hbm:s10], $0x3E80  }
0x1b: {  	[tilespmem:s3], [sflag:$0x1] =	stream.linear.gather [hbm4b:s22+s3], $0x200, $0x38;
	[tilespmem:$0x1A540] =	vst v63  }
0x1c: {  	_ = 	snop  }
0x1d: {  	[tilespmem:s12], [sflag:$0x2] =	stream.linear.gather [hbm4b:s23+s3], $0x200, $0x38;
	[tilespmem:$0x1A540] =	vst v63  }
0x1e: {  	_ = 	snop  }
0x1f: {  	[tilespmem:s18], [sflag:$0x3] =	stream.linear.gather [hbm4b:s24+s3], $0x200, $0x38;
	[tilespmem:$0x1A540] =	vst v63  }
0x20: {  	_ =	swait.ge [sflag:s25], $0x200  }
0x21: {  	[sflag:s25] =	ssyncset.done $0x0  }
0x22: {  	s29 =	rddreg [dreg:$0xb];
	[sflag:s25] =	ssyncadd.s32 $0xFFFFFE00  }
0x23: {  	[tilespmem:s11], [sflag:$0x5] =	stream.indirect.gather [hbm4b:s29+s12], $0x80, s3, s12, $0xb8;
	[tilespmem:$0x1A540] =	vst v63  }
0x24: {  	_ =	swait.ge [sflag:s6], $0x10000  }
0x25: {  	[sflag:s6] =	ssyncset.done $0x0  }
0x26: {  	s29 =	simm.s32 @!p0 $0x4;
	[sflag:s6] =	ssyncadd.s32 $0xFFFF0000  }
0x27: {  	[hbm4b:s20+s3] =	stream.linear.scatter [tilespmem:s11], [sflag:$0x6], $0x10000, $0x38;
	[tilespmem:$0x1A540] =	vst v63  }
0x28: {  	_ =	swait.ge @!p0 [sflag:s29], $0x3E80  }
0x29: {  	[sflag:s29] =	ssyncset.done @!p0 $0x0  }
0x2a: {  	[sflag:s29] =	ssyncadd.s32 @!p0 $0xFFFFC180  }
0x2b: {  	[bflag:$0x0] =	sbarrier.arrive $0xFFFF  }
0x2c: {  	_ =	swait.ge [sflag:s21], $0x200  }
0x2d: {  	[sflag:s21] =	ssyncset.done $0x0  }
0x2e: {  	[sflag:s21] =	ssyncadd.s32 $0xFFFFFE00  }
0x2f: {  	[tilespmem:s7], [sflag:$0x5] =	stream.indirect.gather [spmem:s2], $0x80, s18, s8, $0xb8;
	[tilespmem:$0x1A540] =	vst v63  }
0x30: {  	_ =	swait.ge [sflag:s6], $0x8000  }
0x31: {  	[sflag:s6] =	ssyncset.done $0x0  }
0x32: {  	[sflag:s6] =	ssyncadd.s32 $0xFFFF8000  }
0x33: {  	[hbm4b:s14+s3] =	stream.linear.scatter [tilespmem:s7], [sflag:$0x8], $0x8000, $0x38;
	[tilespmem:$0x1A540] =	vst v63  }
0x34: {  	_ =	swait.ge [sflag:s19], $0x200  }
0x35: {  	[sflag:s19] =	ssyncset.done $0x0  }
0x36: {  	[sflag:s19] =	ssyncadd.s32 $0xFFFFFE00  }
0x37: {  	_ =	swait.ge [sflag:s17], $0x10000  }
0x38: {  	[sflag:s17] =	ssyncset.done $0x0  }
0x39: {  	[sflag:s17] =	ssyncadd.s32 $0xFFFF0000  }
0x3a: {  	[tilespmem:s11], [sflag:$0x5] =	stream.indirect.gather [hbm4b:s1+s12], $0x80, s12, s12, $0xb8;
	[tilespmem:$0x1A540] =	vst v63  }
0x3b: {  	_ =	swait.ge [sflag:s6], $0x10000  }
0x3c: {  	[sflag:s6] =	ssyncset.done $0x0  }
0x3d: {  	[sflag:s6] =	ssyncadd.s32 $0xFFFF0000  }
0x3e: {  	[hbm4b:s5+s3] =	stream.linear.scatter [tilespmem:s11], [sflag:$0x7], $0x10000, $0x38;
	[tilespmem:$0x1A540] =	vst v63  }
0x3f: {  	_ =	swait.ge [sflag:s15], $0x8000  }
0x40: {  	[sflag:s15] =	ssyncset.done $0x0  }
0x41: {  	[sflag:s15] =	ssyncadd.s32 $0xFFFF8000  }
0x42: {  	[tilespmem:s7], [sflag:$0x5] =	stream.indirect.gather [spmem:s2], $0x80, s16, s8, $0xb8;
	[tilespmem:$0x1A540] =	vst v63  }
0x43: {  	_ =	swait.ge [sflag:s6], $0x8000  }
0x44: {  	s30 =	sadd.s32 $0xFFFFFFFF, s30;
	[sflag:s6] =	ssyncset.done $0x0  }
0x45: {  	p2 =	sne.s32 s30, $0x0;
	[sflag:s6] =	ssyncadd.s32 $0xFFFF8000  }
0x46: {  	[hbm4b:s4+s3] =	stream.linear.scatter [tilespmem:s7], [sflag:$0x9], $0x8000, $0x38;
	[tilespmem:$0x1A540] =	vst v63  }
.Ltmp1:
0x47: {  	_ =	swait.ge [sflag:s13], $0x8000;
	(pc) =	sbr.rel @!p2 .LBB2_3-.Ltmp1, $4  }
0x48: {  	[sflag:s13] =	ssyncset.done $0x0  }
0x49: {  	[sflag:s13] =	ssyncadd.s32 $0xFFFF8000  }
0x4a: {  	_ =	swait.ge [sflag:s9], $0x10000  }
0x4b: {  	p1 =	por $0x1, $0x1;
	[sflag:s9] =	ssyncset.done $0x0  }
.LBB2_2:
0x4c: {  	[sflag:s9] =	ssyncadd.s32 $0xFFFF0000  }
0x4d: {  	[spmem:s26], [sflag:s28] =	dma.local @!p0 [hbm:s10], $0x3E80  }
0x4e: {  	[tilespmem:s3], [sflag:$0x1] =	stream.linear.gather [hbm4b:s22+s3], $0x200, $0x38;
	[tilespmem:$0x1A540] =	vst v63  }
0x4f: {  	_ = 	snop  }
0x50: {  	[tilespmem:s12], [sflag:$0x2] =	stream.linear.gather [hbm4b:s23+s3], $0x200, $0x38;
	[tilespmem:$0x1A540] =	vst v63  }
0x51: {  	_ = 	snop  }
0x52: {  	[tilespmem:s18], [sflag:$0x3] =	stream.linear.gather [hbm4b:s24+s3], $0x200, $0x38;
	[tilespmem:$0x1A540] =	vst v63  }
0x53: {  	_ =	swait.ge [sflag:s25], $0x200  }
0x54: {  	[sflag:s25] =	ssyncset.done $0x0  }
0x55: {  	s31 =	rddreg [dreg:$0xb];
	[sflag:s25] =	ssyncadd.s32 $0xFFFFFE00  }
0x56: {  	[tilespmem:s11], [sflag:$0x5] =	stream.indirect.gather [hbm4b:s31+s12], $0x80, s3, s12, $0xb8;
	[tilespmem:$0x1A540] =	vst v63  }
0x57: {  	_ =	swait.ge [sflag:s6], $0x10000  }
0x58: {  	[sflag:s6] =	ssyncset.done $0x0  }
0x59: {  	[sflag:s6] =	ssyncadd.s32 $0xFFFF0000  }
0x5a: {  	[hbm4b:s20+s3] =	stream.linear.scatter [tilespmem:s11], [sflag:$0x6], $0x10000, $0x38;
	[tilespmem:$0x1A540] =	vst v63  }
0x5b: {  	_ =	swait.ge @!p0 [sflag:s29], $0x3E80  }
0x5c: {  	[sflag:s29] =	ssyncset.done @!p0 $0x0  }
0x5d: {  	[sflag:s29] =	ssyncadd.s32 @!p0 $0xFFFFC180  }
0x5e: {  	[bflag:$0x0] =	sbarrier.arrive $0xFFFF  }
0x5f: {  	_ =	swait.ge [sflag:s21], $0x200  }
0x60: {  	[sflag:s21] =	ssyncset.done $0x0  }
0x61: {  	[sflag:s21] =	ssyncadd.s32 $0xFFFFFE00  }
0x62: {  	[tilespmem:s7], [sflag:$0x5] =	stream.indirect.gather [spmem:s2], $0x80, s18, s8, $0xb8;
	[tilespmem:$0x1A540] =	vst v63  }
0x63: {  	_ =	swait.ge [sflag:s6], $0x8000  }
0x64: {  	[sflag:s6] =	ssyncset.done $0x0  }
0x65: {  	[sflag:s6] =	ssyncadd.s32 $0xFFFF8000  }
0x66: {  	[hbm4b:s14+s3] =	stream.linear.scatter [tilespmem:s7], [sflag:$0x8], $0x8000, $0x38;
	[tilespmem:$0x1A540] =	vst v63  }
0x67: {  	_ =	swait.ge [sflag:s19], $0x200  }
0x68: {  	[sflag:s19] =	ssyncset.done $0x0  }
0x69: {  	[sflag:s19] =	ssyncadd.s32 $0xFFFFFE00  }
0x6a: {  	_ =	swait.ge [sflag:s17], $0x10000  }
0x6b: {  	[sflag:s17] =	ssyncset.done $0x0  }
0x6c: {  	[sflag:s17] =	ssyncadd.s32 $0xFFFF0000  }
0x6d: {  	[tilespmem:s11], [sflag:$0x5] =	stream.indirect.gather [hbm4b:s1+s12], $0x80, s12, s12, $0xb8;
	[tilespmem:$0x1A540] =	vst v63  }
0x6e: {  	_ =	swait.ge [sflag:s6], $0x10000  }
0x6f: {  	[sflag:s6] =	ssyncset.done $0x0  }
0x70: {  	[sflag:s6] =	ssyncadd.s32 $0xFFFF0000  }
0x71: {  	[hbm4b:s5+s3] =	stream.linear.scatter [tilespmem:s11], [sflag:$0x7], $0x10000, $0x38;
	[tilespmem:$0x1A540] =	vst v63  }
0x72: {  	_ =	swait.ge [sflag:s15], $0x8000  }
0x73: {  	[sflag:s15] =	ssyncset.done $0x0  }
0x74: {  	[sflag:s15] =	ssyncadd.s32 $0xFFFF8000  }
0x75: {  	[tilespmem:s7], [sflag:$0x5] =	stream.indirect.gather [spmem:s2], $0x80, s16, s8, $0xb8;
	[tilespmem:$0x1A540] =	vst v63  }
0x76: {  	_ =	swait.ge [sflag:s6], $0x8000  }
0x77: {  	s30 =	sadd.s32 $0xFFFFFFFF, s30;
	[sflag:s6] =	ssyncset.done $0x0  }
0x78: {  	p2 =	sne.s32 s30, $0x0;
	[sflag:s6] =	ssyncadd.s32 $0xFFFF8000  }
0x79: {  	[hbm4b:s4+s3] =	stream.linear.scatter [tilespmem:s7], [sflag:$0x9], $0x8000, $0x38;
	[tilespmem:$0x1A540] =	vst v63  }
.Ltmp2:
0x7a: {  	_ =	swait.ge [sflag:s13], $0x8000;
	(pc) =	sbr.rel @p2 .LBB2_2-.Ltmp2, $4  }
0x7b: {  	[sflag:s13] =	ssyncset.done $0x0  }
0x7c: {  	[sflag:s13] =	ssyncadd.s32 $0xFFFF8000  }
0x7d: {  	_ =	swait.ge [sflag:s9], $0x10000  }
0x7e: {  	[sflag:s9] =	ssyncset.done $0x0  }
.LBB2_3:
0x7f: {  	[sflag:s9] =	ssyncadd.s32 @p1 $0xFFFF0000;
	s28 =	simm.s32 @!p0 $0x1C04  }
0x80: {  	[spmem:s26], [sflag:s28] =	dma.local @!p0 [hbm:s10], $0x3E80  }
0x81: {  	[tilespmem:s3], [sflag:$0x1] =	stream.linear.gather [hbm4b:s22+s3], $0x200, $0x38;
	[tilespmem:$0x1A540] =	vst v63  }
0x82: {  	_ = 	snop  }
0x83: {  	[tilespmem:s12], [sflag:$0x2] =	stream.linear.gather [hbm4b:s23+s3], $0x200, $0x38;
	[tilespmem:$0x1A540] =	vst v63  }
0x84: {  	_ = 	snop  }
0x85: {  	[tilespmem:s18], [sflag:$0x3] =	stream.linear.gather [hbm4b:s24+s3], $0x200, $0x38;
	[tilespmem:$0x1A540] =	vst v63  }
0x86: {  	_ =	swait.ge [sflag:s25], $0x200  }
0x87: {  	[sflag:s25] =	ssyncset.done $0x0  }
0x88: {  	s31 =	rddreg [dreg:$0xb];
	[sflag:s25] =	ssyncadd.s32 $0xFFFFFE00  }
0x89: {  	[tilespmem:s11], [sflag:$0x5] =	stream.indirect.gather [hbm4b:s31+s12], $0x80, s3, s12, $0xb8;
	[tilespmem:$0x1A540] =	vst v63  }
0x8a: {  	_ =	swait.ge [sflag:s6], $0x10000  }
0x8b: {  	[sflag:s6] =	ssyncset.done $0x0  }
0x8c: {  	s10 =	simm.s32 @!p0 $0x4;
	[sflag:s6] =	ssyncadd.s32 $0xFFFF0000  }
0x8d: {  	[hbm4b:s20+s3] =	stream.linear.scatter [tilespmem:s11], [sflag:$0x6], $0x10000, $0x38;
	[tilespmem:$0x1A540] =	vst v63  }
0x8e: {  	_ =	swait.ge @!p0 [sflag:s10], $0x3E80  }
0x8f: {  	[sflag:s10] =	ssyncset.done @!p0 $0x0  }
0x90: {  	[sflag:s10] =	ssyncadd.s32 @!p0 $0xFFFFC180  }
0x91: {  	[bflag:$0x0] =	sbarrier.arrive $0xFFFF  }
0x92: {  	_ =	swait.ge [sflag:s21], $0x200  }
0x93: {  	[sflag:s21] =	ssyncset.done $0x0  }
0x94: {  	[sflag:s21] =	ssyncadd.s32 $0xFFFFFE00  }
0x95: {  	[tilespmem:s7], [sflag:$0x5] =	stream.indirect.gather [spmem:s2], $0x80, s18, s8, $0xb8;
	[tilespmem:$0x1A540] =	vst v63  }
0x96: {  	_ =	swait.ge [sflag:s6], $0x8000  }
0x97: {  	[sflag:s6] =	ssyncset.done $0x0  }
0x98: {  	[sflag:s6] =	ssyncadd.s32 $0xFFFF8000  }
0x99: {  	[hbm4b:s14+s3] =	stream.linear.scatter [tilespmem:s7], [sflag:$0x8], $0x8000, $0x38;
	[tilespmem:$0x1A540] =	vst v63  }
0x9a: {  	_ =	swait.ge [sflag:s19], $0x200  }
0x9b: {  	[sflag:s19] =	ssyncset.done $0x0  }
0x9c: {  	[sflag:s19] =	ssyncadd.s32 $0xFFFFFE00  }
0x9d: {  	_ =	swait.ge [sflag:s17], $0x10000  }
0x9e: {  	[sflag:s17] =	ssyncset.done $0x0  }
0x9f: {  	[sflag:s17] =	ssyncadd.s32 $0xFFFF0000  }
0xa0: {  	[tilespmem:s11], [sflag:$0x5] =	stream.indirect.gather [hbm4b:s1+s12], $0x80, s12, s12, $0xb8;
	[tilespmem:$0x1A540] =	vst v63  }
0xa1: {  	_ =	swait.ge [sflag:s6], $0x10000  }
0xa2: {  	[sflag:s6] =	ssyncset.done $0x0  }
0xa3: {  	[sflag:s6] =	ssyncadd.s32 $0xFFFF0000  }
0xa4: {  	[hbm4b:s5+s3] =	stream.linear.scatter [tilespmem:s11], [sflag:$0x7], $0x10000, $0x38;
	[tilespmem:$0x1A540] =	vst v63  }
0xa5: {  	_ =	swait.ge [sflag:s15], $0x8000  }
0xa6: {  	[sflag:s15] =	ssyncset.done $0x0  }
0xa7: {  	[sflag:s15] =	ssyncadd.s32 $0xFFFF8000  }
0xa8: {  	[tilespmem:s7], [sflag:$0x5] =	stream.indirect.gather [spmem:s2], $0x80, s16, s8, $0xb8;
	[tilespmem:$0x1A540] =	vst v63  }
0xa9: {  	_ =	swait.ge [sflag:s6], $0x8000  }
0xaa: {  	[sflag:s6] =	ssyncset.done $0x0  }
0xab: {  	[sflag:s6] =	ssyncadd.s32 $0xFFFF8000  }
0xac: {  	[hbm4b:s4+s3] =	stream.linear.scatter [tilespmem:s7], [sflag:$0x9], $0x8000, $0x38;
	[tilespmem:$0x1A540] =	vst v63  }
0xad: {  	_ =	swait.ge [sflag:s13], $0x8000  }
0xae: {  	[sflag:s13] =	ssyncset.done $0x0  }
0xaf: {  	[sflag:s13] =	ssyncadd.s32 $0xFFFF8000  }
0xb0: {  	_ =	swait.ge [sflag:s9], $0x10000  }
0xb1: {  	[sflag:s9] =	ssyncset.done $0x0  }
0xb2: {  	[sflag:s9] =	ssyncadd.s32 $0xFFFF0000  }
0xb3: {  	_ =	sfence.sel $0x180000  }
0xb4: {  	[bflag:$0x0] =	sbarrier.arrive $0xFFFF  }
0xb5: {  	_ =	strace $0x90000047  }
0xb6: {  	s0 =	sadd.s32 @!p0 $0x100000, s0;
	[bflag:$0x2] =	sbarrier.arrive $0xFFFF  }
0xb7: {  	[sflag:s0] =	ssyncadd.tile.s32 @!p0 $0x1;
	_ =	shalt  }
.Lfunc_end2:
_tile_overlayer_lowered:
.L_overlay_start_2:
0xb8: {  	(tag) =	ssettag $0x2  }
0xb9: {  	s0 =	rddreg [dreg:$0x0];
	s2 =	stileid.u32  }
0xba: {  	s1 =	rddreg [dreg:$0x1];
	p0 =	sne.s32 s2, $0x0  }
0xbb: {  	s3 =	rddreg [dreg:$0x2];
	[bflag:$0x3] =	sbarrier.arrive $0xFFFF;
	s2 =	simm.s32 @!p0 $0x1C09  }
0xbc: {  	[timem:s3], [sflag:s2] =	dma.local @!p0 [hbm:s0], s1  }
0xbd: {  	s0 =	simm.s32 @!p0 $0x9  }
0xbe: {  	_ =	swait.ge @!p0 [sflag:s0], s1  }
0xbf: {  	s1 =	ssub.s32 @!p0 $0x0, s1;
	[sflag:s0] =	ssyncset.done @!p0 $0x0  }
0xc0: {  	[sflag:s0] =	ssyncadd.s32 @!p0 s1  }
0xc1: {  	[bflag:$0x3] =	sbarrier.arrive $0xFFFF  }
0xc2: {  	_ =	shalt  }

</sc_bundles>
